<compile_context>
chip_gen: v7x
topology: tpu7x:2x2x1
jax: 0.10.2.dev20260603
libtpu: 0.0.44.dev20260713+nightly
codegen_flags: <defaults>
</compile_context>

<pallas_src>
import functools

import jax
import jax.numpy as jnp
from jax import lax
from jax.experimental import pallas as pl
from jax.experimental.pallas import tpu as pltpu
from jax.experimental.pallas import tpu_sc as plsc

_NCHUNK = 2
_CHUNK = 1600000 // _NCHUNK

_U_WORKERS = 25
_U_LANES = 50000 // _U_WORKERS


def _tc_binary_copy(b_hbm, ob_hbm, bv, sin, sout):
    for i in range(_NCHUNK):
        pltpu.make_async_copy(
            b_hbm.at[:, pl.ds(i * _CHUNK, _CHUNK)], bv.at[i], sin.at[i]
        ).start()
    outs = []
    for i in range(_NCHUNK):
        pltpu.make_async_copy(
            b_hbm.at[:, pl.ds(i * _CHUNK, _CHUNK)], bv.at[i], sin.at[i]
        ).wait()
        c = pltpu.make_async_copy(
            bv.at[i], ob_hbm.at[:, pl.ds(i * _CHUNK, _CHUNK)], sout.at[i]
        )
        c.start()
        outs.append(c)
    for c in outs:
        c.wait()


def _sc_unary_copy(uT):
    mesh = plsc.VectorSubcoreMesh(core_axis_name="c", subcore_axis_name="s")

    @functools.partial(
        pl.kernel,
        mesh=mesh,
        out_type=jax.ShapeDtypeStruct((8, 50000), jnp.float32),
    )
    def k(u_hbm, ou_hbm):
        wid = lax.axis_index("s") * 2 + lax.axis_index("c")

        @pl.when(wid == 0)
        def _():
            pltpu.sync_copy(u_hbm, ou_hbm)

    return k(uT)


def kernel(unary, binary, index1, index2):
    uT = unary.T
    bT = binary.T
    ouT = _sc_unary_copy(uT)
    obT = pl.pallas_call(
        _tc_binary_copy,
        in_specs=[pl.BlockSpec(memory_space=pl.ANY)],
        out_specs=pl.BlockSpec(memory_space=pl.ANY),
        out_shape=jax.ShapeDtypeStruct(bT.shape, bT.dtype),
        scratch_shapes=[
            pltpu.VMEM((_NCHUNK, 2, _CHUNK), jnp.float32),
            pltpu.SemaphoreType.DMA((_NCHUNK,)),
            pltpu.SemaphoreType.DMA((_NCHUNK,)),
        ],
    )(bT)
    return ouT.T, obT.T

# --- scband reference (transcript-rebuilt; emitter-appended) ---
"""Pipeline reference for scband-relational-kenn-16217796510109 (READ-ONLY COPY).

The authoritative reference and input builder live on the scoring server;
editing this copy changes nothing except your own understanding.
"""

import jax, jax.numpy as jnp
import numpy as np

N_NODES = 50000
N_EDGES = 1600000
N_UNARY = 8
N_BINARY = 2


def setup_inputs(seed: int = 0) -> dict:
    key = jax.random.key(seed)
    k1, k2, k3, k4 = jax.random.split(key, 4)
    unary = jax.random.normal(k1, (N_NODES, N_UNARY), dtype=jnp.float32)
    binary = jax.random.normal(k2, (N_EDGES, N_BINARY), dtype=jnp.float32)
    index1 = jax.random.randint(k3, (N_EDGES, N_UNARY), 0, N_NODES, dtype=jnp.int64 if jax.config.jax_enable_x64 else jnp.int32)
    index2 = jax.random.randint(k4, (N_EDGES, N_UNARY), 0, N_NODES, dtype=jnp.int64 if jax.config.jax_enable_x64 else jnp.int32)
    return {"unary": unary, "binary": binary, "index1": index1, "index2": index2}


def reference(unary, binary, index1, index2):
    # RelationalKenn with empty unary_clauses and empty binary_clauses:
    #   - unary branch skipped -> u = unary
    #   - binary branch skipped -> delta_up = zeros_like(u), delta_bp = zeros_like(binary)
    #   - activation is identity (default lambda x: x)
    u = unary
    delta_up = jnp.zeros(u.shape, dtype=u.dtype)
    delta_bp = jnp.zeros(binary.shape, dtype=binary.dtype)
    return (u + delta_up, binary + delta_bp)

if __name__ == "__main__":
    import jax
    _d = setup_inputs()
    print(jax.jit(kernel)(*tuple(_d.values())))

</pallas_src>

<mosaic_0001>
#map = affine_map<(d0, d1) -> (0, 0)>
module attributes {stable_mosaic.version = 14 : i64} {
  func.func @k(%arg0: i32, %arg1: i32, %arg2: memref<8x50000xf32, #tpu.memory_space<hbm>>, %arg3: memref<8x50000xf32, #tpu.memory_space<hbm>>) attributes {dimension_semantics = [#tpu.dimension_semantics<core_parallel>, #tpu.dimension_semantics<subcore_parallel>], iteration_bounds = array<i64: 2, 16>, scalar_prefetch = 0 : i64, scratch_operands = 0 : i64, tpu.core_type = #tpu.core_type<sc_vector_subcore>, window_params = [{transform_indices = #map}, {transform_indices = #map}]} {
    %mul3A = arith.constant 2 : i32
    %mul3A_0 = arith.muli %arg1, %mul3A : i32
    %add3A = arith.addi %mul3A_0, %arg0 : i32
    %eq3A = arith.constant 0 : i32
    %eq3A_1 = arith.cmpi eq, %add3A, %eq3A : i32
    %convert_element_type3A = arith.extui %eq3A_1 : i1 to i32
    %cond3A = arith.constant 0 : i32
    %cond3A_2 = arith.cmpi ne, %convert_element_type3A, %cond3A : i32
    scf.if %cond3A_2 {
      "tpu.region"() ({
        %run_scoped3A = tpu.sem_alloc : memref<!tpu.dma_semaphore, #tpu.memory_space<semaphore_mem>>
        tpu.enqueue_dma source(%arg2 : memref<8x50000xf32, #tpu.memory_space<hbm>>) target(%arg3 : memref<8x50000xf32, #tpu.memory_space<hbm>>) target_semaphore(%run_scoped3A : memref<!tpu.dma_semaphore, #tpu.memory_space<semaphore_mem>>)
        tpu.wait_dma2 semaphore(%run_scoped3A : memref<!tpu.dma_semaphore, #tpu.memory_space<semaphore_mem>>) src(%arg2 : memref<8x50000xf32, #tpu.memory_space<hbm>>) dst(%arg3 : memref<8x50000xf32, #tpu.memory_space<hbm>>)
        tpu.yield
      }) : () -> ()
    } else {
    }
    return
  }
}

module attributes {stable_mosaic.version = 14 : i64} {
  func.func @_tc_binary_copy(%arg0: memref<2x1600000xf32, #tpu.memory_space<any>>, %arg1: memref<2x1600000xf32, #tpu.memory_space<any>>, %arg2: memref<2x2x800000xf32, #tpu.memory_space<vmem>>, %arg3: memref<2x!tpu.dma_semaphore, #tpu.memory_space<semaphore_mem>>, %arg4: memref<2x!tpu.dma_semaphore, #tpu.memory_space<semaphore_mem>>) attributes {dimension_semantics = [], scalar_prefetch = 0 : i64, scratch_operands = 3 : i64, tpu.core_type = #tpu.core_type<tc>} {
    %dma_start3A = arith.constant 0 : i32
    %dma_start3A_0 = arith.constant 0 : i32
    %dma_start3A_1 = tpu.memref_slice %arg3[%dma_start3A_0] : memref<2x!tpu.dma_semaphore, #tpu.memory_space<semaphore_mem>> -> memref<1x!tpu.dma_semaphore, #tpu.memory_space<semaphore_mem>>
    %dma_start3A_2 = tpu.memref_squeeze %dma_start3A_1 : memref<1x!tpu.dma_semaphore, #tpu.memory_space<semaphore_mem>> -> memref<!tpu.dma_semaphore, #tpu.memory_space<semaphore_mem>>
    %dma_start3A_3 = arith.constant 0 : i32
    %dma_start3A_4 = arith.constant 0 : i32
    %dma_start3A_5 = tpu.memref_slice %arg2[%dma_start3A, %dma_start3A_3, %dma_start3A_4] : memref<2x2x800000xf32, #tpu.memory_space<vmem>> -> memref<1x2x800000xf32, #tpu.memory_space<vmem>>
    %dma_start3A_6 = tpu.memref_squeeze %dma_start3A_5 : memref<1x2x800000xf32, #tpu.memory_space<vmem>> -> memref<2x800000xf32, #tpu.memory_space<vmem>>
    %dma_start3A_7 = arith.constant 0 : i32
    %dma_start3A_8 = arith.constant 0 : i32
    %dma_start3A_9 = tpu.memref_slice %arg0[%dma_start3A_7, %dma_start3A_8] : memref<2x1600000xf32, #tpu.memory_space<any>> -> memref<2x800000xf32, #tpu.memory_space<any>>
    tpu.enqueue_dma source(%dma_start3A_9 : memref<2x800000xf32, #tpu.memory_space<any>>) target(%dma_start3A_6 : memref<2x800000xf32, #tpu.memory_space<vmem>>) target_semaphore(%dma_start3A_2 : memref<!tpu.dma_semaphore, #tpu.memory_space<semaphore_mem>>)
    %dma_start3A_10 = arith.constant 1 : i32
    %dma_start3A_11 = arith.constant 1 : i32
    %dma_start3A_12 = tpu.memref_slice %arg3[%dma_start3A_11] : memref<2x!tpu.dma_semaphore, #tpu.memory_space<semaphore_mem>> -> memref<1x!tpu.dma_semaphore, #tpu.memory_space<semaphore_mem>>
    %dma_start3A_13 = tpu.memref_squeeze %dma_start3A_12 : memref<1x!tpu.dma_semaphore, #tpu.memory_space<semaphore_mem>> -> memref<!tpu.dma_semaphore, #tpu.memory_space<semaphore_mem>>
    %dma_start3A_14 = arith.constant 0 : i32
    %dma_start3A_15 = arith.constant 0 : i32
    %dma_start3A_16 = tpu.memref_slice %arg2[%dma_start3A_10, %dma_start3A_14, %dma_start3A_15] : memref<2x2x800000xf32, #tpu.memory_space<vmem>> -> memref<1x2x800000xf32, #tpu.memory_space<vmem>>
    %dma_start3A_17 = tpu.memref_squeeze %dma_start3A_16 : memref<1x2x800000xf32, #tpu.memory_space<vmem>> -> memref<2x800000xf32, #tpu.memory_space<vmem>>
    %dma_start3A_18 = arith.constant 0 : i32
    %dma_start3A_19 = arith.constant 800000 : i32
    %dma_start3A_20 = tpu.memref_slice %arg0[%dma_start3A_18, %dma_start3A_19] : memref<2x1600000xf32, #tpu.memory_space<any>> -> memref<2x800000xf32, #tpu.memory_space<any>>
    tpu.enqueue_dma source(%dma_start3A_20 : memref<2x800000xf32, #tpu.memory_space<any>>) target(%dma_start3A_17 : memref<2x800000xf32, #tpu.memory_space<vmem>>) target_semaphore(%dma_start3A_13 : memref<!tpu.dma_semaphore, #tpu.memory_space<semaphore_mem>>)
    %dma_wait3A = arith.constant 0 : i32
    %dma_wait3A_21 = arith.constant 0 : i32
    %dma_wait3A_22 = tpu.memref_slice %arg3[%dma_wait3A_21] : memref<2x!tpu.dma_semaphore, #tpu.memory_space<semaphore_mem>> -> memref<1x!tpu.dma_semaphore, #tpu.memory_space<semaphore_mem>>
    %dma_wait3A_23 = tpu.memref_squeeze %dma_wait3A_22 : memref<1x!tpu.dma_semaphore, #tpu.memory_space<semaphore_mem>> -> memref<!tpu.dma_semaphore, #tpu.memory_space<semaphore_mem>>
    %dma_wait3A_24 = arith.constant 0 : i32
    %dma_wait3A_25 = arith.constant 0 : i32
    %dma_wait3A_26 = tpu.memref_slice %arg2[%dma_wait3A, %dma_wait3A_24, %dma_wait3A_25] : memref<2x2x800000xf32, #tpu.memory_space<vmem>> -> memref<1x2x800000xf32, #tpu.memory_space<vmem>>
    %dma_wait3A_27 = tpu.memref_squeeze %dma_wait3A_26 : memref<1x2x800000xf32, #tpu.memory_space<vmem>> -> memref<2x800000xf32, #tpu.memory_space<vmem>>
    %dma_wait3A_28 = arith.constant 0 : i32
    %dma_wait3A_29 = arith.constant 0 : i32
    %dma_wait3A_30 = tpu.memref_slice %arg0[%dma_wait3A_28, %dma_wait3A_29] : memref<2x1600000xf32, #tpu.memory_space<any>> -> memref<2x800000xf32, #tpu.memory_space<any>>
    tpu.wait_dma2 semaphore(%dma_wait3A_23 : memref<!tpu.dma_semaphore, #tpu.memory_space<semaphore_mem>>) src(%dma_wait3A_30 : memref<2x800000xf32, #tpu.memory_space<any>>) dst(%dma_wait3A_27 : memref<2x800000xf32, #tpu.memory_space<vmem>>)
    %dma_start3A_31 = arith.constant 0 : i32
    %dma_start3A_32 = arith.constant 0 : i32
    %dma_start3A_33 = tpu.memref_slice %arg4[%dma_start3A_32] : memref<2x!tpu.dma_semaphore, #tpu.memory_space<semaphore_mem>> -> memref<1x!tpu.dma_semaphore, #tpu.memory_space<semaphore_mem>>
    %dma_start3A_34 = tpu.memref_squeeze %dma_start3A_33 : memref<1x!tpu.dma_semaphore, #tpu.memory_space<semaphore_mem>> -> memref<!tpu.dma_semaphore, #tpu.memory_space<semaphore_mem>>
    %dma_start3A_35 = arith.constant 0 : i32
    %dma_start3A_36 = arith.constant 0 : i32
    %dma_start3A_37 = tpu.memref_slice %arg1[%dma_start3A_35, %dma_start3A_36] : memref<2x1600000xf32, #tpu.memory_space<any>> -> memref<2x800000xf32, #tpu.memory_space<any>>
    %dma_start3A_38 = arith.constant 0 : i32
    %dma_start3A_39 = arith.constant 0 : i32
    %dma_start3A_40 = tpu.memref_slice %arg2[%dma_start3A_31, %dma_start3A_38, %dma_start3A_39] : memref<2x2x800000xf32, #tpu.memory_space<vmem>> -> memref<1x2x800000xf32, #tpu.memory_space<vmem>>
    %dma_start3A_41 = tpu.memref_squeeze %dma_start3A_40 : memref<1x2x800000xf32, #tpu.memory_space<vmem>> -> memref<2x800000xf32, #tpu.memory_space<vmem>>
    tpu.enqueue_dma source(%dma_start3A_41 : memref<2x800000xf32, #tpu.memory_space<vmem>>) target(%dma_start3A_37 : memref<2x800000xf32, #tpu.memory_space<any>>) target_semaphore(%dma_start3A_34 : memref<!tpu.dma_semaphore, #tpu.memory_space<semaphore_mem>>)
    %dma_wait3A_42 = arith.constant 1 : i32
    %dma_wait3A_43 = arith.constant 1 : i32
    %dma_wait3A_44 = tpu.memref_slice %arg3[%dma_wait3A_43] : memref<2x!tpu.dma_semaphore, #tpu.memory_space<semaphore_mem>> -> memref<1x!tpu.dma_semaphore, #tpu.memory_space<semaphore_mem>>
    %dma_wait3A_45 = tpu.memref_squeeze %dma_wait3A_44 : memref<1x!tpu.dma_semaphore, #tpu.memory_space<semaphore_mem>> -> memref<!tpu.dma_semaphore, #tpu.memory_space<semaphore_mem>>
    %dma_wait3A_46 = arith.constant 0 : i32
    %dma_wait3A_47 = arith.constant 0 : i32
    %dma_wait3A_48 = tpu.memref_slice %arg2[%dma_wait3A_42, %dma_wait3A_46, %dma_wait3A_47] : memref<2x2x800000xf32, #tpu.memory_space<vmem>> -> memref<1x2x800000xf32, #tpu.memory_space<vmem>>
    %dma_wait3A_49 = tpu.memref_squeeze %dma_wait3A_48 : memref<1x2x800000xf32, #tpu.memory_space<vmem>> -> memref<2x800000xf32, #tpu.memory_space<vmem>>
    %dma_wait3A_50 = arith.constant 0 : i32
    %dma_wait3A_51 = arith.constant 800000 : i32
    %dma_wait3A_52 = tpu.memref_slice %arg0[%dma_wait3A_50, %dma_wait3A_51] : memref<2x1600000xf32, #tpu.memory_space<any>> -> memref<2x800000xf32, #tpu.memory_space<any>>
    tpu.wait_dma2 semaphore(%dma_wait3A_45 : memref<!tpu.dma_semaphore, #tpu.memory_space<semaphore_mem>>) src(%dma_wait3A_52 : memref<2x800000xf32, #tpu.memory_space<any>>) dst(%dma_wait3A_49 : memref<2x800000xf32, #tpu.memory_space<vmem>>)
    %dma_start3A_53 = arith.constant 1 : i32
    %dma_start3A_54 = arith.constant 1 : i32
    %dma_start3A_55 = tpu.memref_slice %arg4[%dma_start3A_54] : memref<2x!tpu.dma_semaphore, #tpu.memory_space<semaphore_mem>> -> memref<1x!tpu.dma_semaphore, #tpu.memory_space<semaphore_mem>>
    %dma_start3A_56 = tpu.memref_squeeze %dma_start3A_55 : memref<1x!tpu.dma_semaphore, #tpu.memory_space<semaphore_mem>> -> memref<!tpu.dma_semaphore, #tpu.memory_space<semaphore_mem>>
    %dma_start3A_57 = arith.constant 0 : i32
    %dma_start3A_58 = arith.constant 800000 : i32
    %dma_start3A_59 = tpu.memref_slice %arg1[%dma_start3A_57, %dma_start3A_58] : memref<2x1600000xf32, #tpu.memory_space<any>> -> memref<2x800000xf32, #tpu.memory_space<any>>
    %dma_start3A_60 = arith.constant 0 : i32
    %dma_start3A_61 = arith.constant 0 : i32
    %dma_start3A_62 = tpu.memref_slice %arg2[%dma_start3A_53, %dma_start3A_60, %dma_start3A_61] : memref<2x2x800000xf32, #tpu.memory_space<vmem>> -> memref<1x2x800000xf32, #tpu.memory_space<vmem>>
    %dma_start3A_63 = tpu.memref_squeeze %dma_start3A_62 : memref<1x2x800000xf32, #tpu.memory_space<vmem>> -> memref<2x800000xf32, #tpu.memory_space<vmem>>
    tpu.enqueue_dma source(%dma_start3A_63 : memref<2x800000xf32, #tpu.memory_space<vmem>>) target(%dma_start3A_59 : memref<2x800000xf32, #tpu.memory_space<any>>) target_semaphore(%dma_start3A_56 : memref<!tpu.dma_semaphore, #tpu.memory_space<semaphore_mem>>)
    %dma_wait3A_64 = arith.constant 0 : i32
    %dma_wait3A_65 = arith.constant 0 : i32
    %dma_wait3A_66 = tpu.memref_slice %arg4[%dma_wait3A_65] : memref<2x!tpu.dma_semaphore, #tpu.memory_space<semaphore_mem>> -> memref<1x!tpu.dma_semaphore, #tpu.memory_space<semaphore_mem>>
    %dma_wait3A_67 = tpu.memref_squeeze %dma_wait3A_66 : memref<1x!tpu.dma_semaphore, #tpu.memory_space<semaphore_mem>> -> memref<!tpu.dma_semaphore, #tpu.memory_space<semaphore_mem>>
    %dma_wait3A_68 = arith.constant 0 : i32
    %dma_wait3A_69 = arith.constant 0 : i32
    %dma_wait3A_70 = tpu.memref_slice %arg1[%dma_wait3A_68, %dma_wait3A_69] : memref<2x1600000xf32, #tpu.memory_space<any>> -> memref<2x800000xf32, #tpu.memory_space<any>>
    %dma_wait3A_71 = arith.constant 0 : i32
    %dma_wait3A_72 = arith.constant 0 : i32
    %dma_wait3A_73 = tpu.memref_slice %arg2[%dma_wait3A_64, %dma_wait3A_71, %dma_wait3A_72] : memref<2x2x800000xf32, #tpu.memory_space<vmem>> -> memref<1x2x800000xf32, #tpu.memory_space<vmem>>
    %dma_wait3A_74 = tpu.memref_squeeze %dma_wait3A_73 : memref<1x2x800000xf32, #tpu.memory_space<vmem>> -> memref<2x800000xf32, #tpu.memory_space<vmem>>
    tpu.wait_dma2 semaphore(%dma_wait3A_67 : memref<!tpu.dma_semaphore, #tpu.memory_space<semaphore_mem>>) src(%dma_wait3A_74 : memref<2x800000xf32, #tpu.memory_space<vmem>>) dst(%dma_wait3A_70 : memref<2x800000xf32, #tpu.memory_space<any>>)
    %dma_wait3A_75 = arith.constant 1 : i32
    %dma_wait3A_76 = arith.constant 1 : i32
    %dma_wait3A_77 = tpu.memref_slice %arg4[%dma_wait3A_76] : memref<2x!tpu.dma_semaphore, #tpu.memory_space<semaphore_mem>> -> memref<1x!tpu.dma_semaphore, #tpu.memory_space<semaphore_mem>>
    %dma_wait3A_78 = tpu.memref_squeeze %dma_wait3A_77 : memref<1x!tpu.dma_semaphore, #tpu.memory_space<semaphore_mem>> -> memref<!tpu.dma_semaphore, #tpu.memory_space<semaphore_mem>>
    %dma_wait3A_79 = arith.constant 0 : i32
    %dma_wait3A_80 = arith.constant 800000 : i32
    %dma_wait3A_81 = tpu.memref_slice %arg1[%dma_wait3A_79, %dma_wait3A_80] : memref<2x1600000xf32, #tpu.memory_space<any>> -> memref<2x800000xf32, #tpu.memory_space<any>>
    %dma_wait3A_82 = arith.constant 0 : i32
    %dma_wait3A_83 = arith.constant 0 : i32
    %dma_wait3A_84 = tpu.memref_slice %arg2[%dma_wait3A_75, %dma_wait3A_82, %dma_wait3A_83] : memref<2x2x800000xf32, #tpu.memory_space<vmem>> -> memref<1x2x800000xf32, #tpu.memory_space<vmem>>
    %dma_wait3A_85 = tpu.memref_squeeze %dma_wait3A_84 : memref<1x2x800000xf32, #tpu.memory_space<vmem>> -> memref<2x800000xf32, #tpu.memory_space<vmem>>
    tpu.wait_dma2 semaphore(%dma_wait3A_78 : memref<!tpu.dma_semaphore, #tpu.memory_space<semaphore_mem>>) src(%dma_wait3A_85 : memref<2x800000xf32, #tpu.memory_space<vmem>>) dst(%dma_wait3A_81 : memref<2x800000xf32, #tpu.memory_space<any>>)
    return
  }
}

</mosaic_0001>

<sc_bundles>
// kernel: kernel.4.cloned.1.call-start
scs
__scs_entry_jumppad:
0x0: {  	(pc) =	sbr.rel $0x88, $3  }
0x1: {  	(tag) =	ssettag $0x0;
	lr =	simm.s32 $0x1  }
0x2: {  	[smem:$0x3F9F] =	sst lr;
	_ =	strace $0xD0000000  }
0x3: {  	_ = 	snop  }
0x4: {  	_ = 	snop  }
0x5: {  	_ = 	snop  }
0x6: {  	_ = 	snop  }
0x7: {  	_ = 	snop  }
__scs_overlays_trampoline_lowered:
0x8: {  	[smem:$0x3FAE] =	sst s0  }
0x9: {  	[smem:$0x3FAF] =	sst s1  }
0xa: {  	[smem:$0x3FB0] =	sst s2  }
0xb: {  	[smem:$0x3FB1] =	sst s3  }
0xc: {  	[smem:$0x3FB2] =	sst s4  }
0xd: {  	[smem:$0x3FB3] =	sst s5  }
0xe: {  	[smem:$0x3FB4] =	sst s6  }
0xf: {  	[smem:$0x3FB5] =	sst s7  }
0x10: {  	[smem:$0x3FB6] =	sst s8  }
0x11: {  	[smem:$0x3FB7] =	sst s9;
	s0 =	simm.s32 @!p0 $0x0  }
0x12: {  	s1 =	sld [smem:$0x3F9D];
	s0 =	simm.s32 @p0 $0x1  }
0x13: {  	[smem:$0x3FB8] =	sst s0;
	s0 =	simm.s32 @!p1 $0x0  }
0x14: {  	s2 =	sld [smem:$0x3F9C];
	s0 =	simm.s32 @p1 $0x1  }
0x15: {  	[smem:$0x3FB9] =	sst s0;
	s0 =	simm.s32 @!p2 $0x0  }
0x16: {  	s3 =	sld [smem:$0x3FDB];
	s0 =	simm.s32 @p2 $0x1  }
0x17: {  	s4 =	simm.s32 $0x1BF5;
	[smem:$0x3FBB] =	sst s0  }
0x18: {  	s0 =	sld [smem:$0x3F9E];
	_ =	swait.ge [sflag:s4], $0x0  }
0x19: {  	s7 =	sld [smem:$0x3F9F]  }
0x1a: {  	s8 =	sadd.s32 $0xFFFFE003, lr  }
0x1b: {  	s9 =	sadd.s32 $0xFFFFFEF7, lr;
	s5 =	simm.s32 $0xFFFFFFFF;
	p2 =	slt.u32 s8, $0xFFFFF086  }
0x1c: {  	p1 =	slt.u32 s9, $0xF7A;
	s5 =	simm.s32 @!p2 $0x0  }
0x1d: {  	s5 =	simm.s32 @p1 $0x1;
	p0 =	seq.s32 s7, s2  }
0x1e: {  	s7 =	smul.u32 @!p0 $0xF7A, s2;
	p2 =	seq.s32 @!p0 s5, $0x0  }
0x1f: {  	s9 =	smul.u32 $0xF7A, s1;
	s8 =	simm.s32 @!p0 $0x1BF5;
	p2 =	por !p2, p0  }
0x20: {  	[sflag:s8] =	ssyncset.s32 @!p0 $0xFFFFF086;
	s6 =	sadd.s32 @!p0 s3, s7;
	s7 =	simm.s32 @!p0 $0x108  }
0x21: {  	s3 =	sadd.s32 s3, s9;
	s6 =	sadd.s32 @!p0 $0x88, s6;
	s7 =	simm.s32 @p2 $0x1082  }
0x22: {  	[simem:s7], [sflag:s8] =	dma.local @!p0 [hbm:s6], $0xF7A  }
0x23: {  	s9 =	sor.u32 $0xD0000000, s2;
	s6 =	simm.s32 $0x108;
	_ =	swait.ge @!p0 [sflag:s8], $0x0  }
0x24: {  	s3 =	sadd.s32 $0x88, s3;
	s6 =	simm.s32 @!p1 $0x1082;
	[sflag:s4] =	ssyncset.s32 $0xFFFFF086  }
0x25: {  	[simem:s6], [sflag:s4] =	dma.local [hbm:s3], $0xF7A  }
0x26: {  	[smem:$0x3F9F] =	sst s1;
	(tag) =	ssettag s2;
	_ =	strace s9  }
0x27: {  	s1 =	sld [smem:$0x3FAF]  }
0x28: {  	s2 =	sld [smem:$0x3FB0]  }
0x29: {  	s4 =	sld [smem:$0x3FB2]  }
0x2a: {  	p0 =	seq.s32 s5, $0x0;
	s5 =	sld [smem:$0x3FB3]  }
0x2b: {  	s6 =	sld [smem:$0x3FB4]  }
0x2c: {  	s7 =	sld [smem:$0x3FB5]  }
0x2d: {  	s3 =	simm.s32 $0x108;
	s8 =	sld [smem:$0x3FB6]  }
0x2e: {  	s3 =	simm.s32 @!p0 $0x1082;
	s9 =	sld [smem:$0x3FB7]  }
0x2f: {  	lr =	sadd.s32 s0, s3;
	s0 =	sld [smem:$0x3FAE]  }
0x30: {  	s3 =	sld [smem:$0x3FB1]  }
0x31: {  	[smem:$0x3FBA] =	sst s10  }
0x32: {  	s10 =	sld [smem:$0x3FB8];
	_ =	sdelay $0x3  }
0x33: {  	p0 =	seq.s32 s10, $0x1;
	s10 =	sld [smem:$0x3FBA];
	_ =	sdelay $0x3  }
0x34: {  	[smem:$0x3FBA] =	sst s10  }
0x35: {  	s10 =	sld [smem:$0x3FB9];
	_ =	sdelay $0x3  }
0x36: {  	p1 =	seq.s32 s10, $0x1;
	s10 =	sld [smem:$0x3FBA];
	_ =	sdelay $0x3  }
0x37: {  	[smem:$0x3FBA] =	sst s10  }
0x38: {  	s10 =	sld [smem:$0x3FBB]  }
0x39: {  	_ = 	snop;
	(pc) =	sbr.ind lr, $3  }
0x3a: {  	_ = 	snop  }
0x3b: {  	_ = 	snop  }
0x3c: {  	p2 =	seq.s32 s10, $0x1;
	s10 =	sld [smem:$0x3FBA]  }
0x3d: {  	_ =	shalt  }
0x3e: {  	_ =	shalt  }
0x3f: {  	_ =	shalt  }
0x40: {  	_ =	shalt  }
0x41: {  	_ =	shalt  }
0x42: {  	_ =	shalt  }
0x43: {  	_ =	shalt  }
0x44: {  	_ =	shalt  }
0x45: {  	_ =	shalt  }
0x46: {  	_ =	shalt  }
0x47: {  	_ =	shalt  }
0x48: {  	_ =	shalt  }
0x49: {  	_ =	shalt  }
0x4a: {  	_ =	shalt  }
0x4b: {  	_ =	shalt  }
0x4c: {  	_ =	shalt  }
0x4d: {  	_ =	shalt  }
0x4e: {  	_ =	shalt  }
0x4f: {  	_ =	shalt  }
0x50: {  	_ =	shalt  }
0x51: {  	_ =	shalt  }
0x52: {  	_ =	shalt  }
0x53: {  	_ =	shalt  }
0x54: {  	_ =	shalt  }
0x55: {  	_ =	shalt  }
0x56: {  	_ =	shalt  }
0x57: {  	_ =	shalt  }
0x58: {  	_ =	shalt  }
0x59: {  	_ =	shalt  }
0x5a: {  	_ =	shalt  }
0x5b: {  	_ =	shalt  }
0x5c: {  	_ =	shalt  }
0x5d: {  	_ =	shalt  }
0x5e: {  	_ =	shalt  }
0x5f: {  	_ =	shalt  }
0x60: {  	_ =	shalt  }
0x61: {  	_ =	shalt  }
0x62: {  	_ =	shalt  }
0x63: {  	_ =	shalt  }
0x64: {  	_ =	shalt  }
0x65: {  	_ =	shalt  }
0x66: {  	_ =	shalt  }
0x67: {  	_ =	shalt  }
0x68: {  	_ =	shalt  }
0x69: {  	_ =	shalt  }
0x6a: {  	_ =	shalt  }
0x6b: {  	_ =	shalt  }
0x6c: {  	_ =	shalt  }
0x6d: {  	_ =	shalt  }
0x6e: {  	_ =	shalt  }
0x6f: {  	_ =	shalt  }
0x70: {  	_ =	shalt  }
0x71: {  	_ =	shalt  }
0x72: {  	_ =	shalt  }
0x73: {  	_ =	shalt  }
0x74: {  	_ =	shalt  }
0x75: {  	_ =	shalt  }
0x76: {  	_ =	shalt  }
0x77: {  	_ =	shalt  }
0x78: {  	_ =	shalt  }
0x79: {  	_ =	shalt  }
0x7a: {  	_ =	shalt  }
0x7b: {  	_ =	shalt  }
0x7c: {  	_ =	shalt  }
0x7d: {  	_ =	shalt  }
0x7e: {  	_ =	shalt  }
0x7f: {  	_ =	shalt  }
0x80: {  	_ =	shalt  }
0x81: {  	_ =	shalt  }
0x82: {  	_ =	shalt  }
0x83: {  	_ =	shalt  }
0x84: {  	_ =	shalt  }
0x85: {  	_ =	shalt  }
0x86: {  	_ =	shalt  }
0x87: {  	_ =	shalt  }
.Lfunc_end0:
.L_simem_size_0:
called_computation_lowered:
.L_overlay_start_0:
0x88: {  	s2 =	sld [smem:$0x3FD9]  }
0x89: {  	s3 =	sld [smem:$0x3FFE];
	_ =	sdelay $0x1  }
0x8a: {  	s1 =	srdreg.scid  }
0x8b: {  	s0 =	sand.u32 $0x1, s1  }
0x8c: {  	s15 =	sshll.u32 s0, $0xA;
	s2 =	sadd.s32 s3, s2  }
0x8d: {  	s2 =	sadd.s32 s2, s15  }
0x8e: {  	[smem:$0x3FC6] =	sst s2  }
0x8f: {  	_ = 	snop  }
0x90: {  	s2 =	sld [smem:$0x3FD0];
	_ =	sdelay $0x2  }
0x91: {  	s4 =	simm.s32 $0xA;
	s5 =	simm.s32 $0x10;
	s16 =	sld [smem:$0x3FC9]  }
0x92: {  	[smem:s5], [sflag:s4] =	dma.local [hbm:s2], $0x1  }
0x93: {  	_ =	swait.eq [sflag:s4], $0x1  }
0x94: {  	[sflag:s4] =	ssyncset.done $0x0  }
0x95: {  	[sflag:s4] =	ssyncadd.s32 $0xFFFFFFFF  }
0x96: {  	s17 =	sld [smem:$0x10];
	(tm) =	ssettm $0x1  }
0x97: {  	s18 =	sld [smem:$0x3FFB];
	_ =	sdelay $0x3  }
0x98: {  	_ =	strace s18  }
0x99: {  	s4 =	sld [smem:$0x3FFC];
	_ =	sdelay $0x3  }
0x9a: {  	_ =	strace s4  }
0x9b: {  	s4 =	sld [smem:$0x3FFD];
	_ =	sdelay $0x3  }
0x9c: {  	_ =	strace s4  }
0x9d: {  	_ =	strace $0x8FFFFFFF  }
0x9e: {  	s19 =	sld [smem:$0x3FDB];
	_ =	sdelay $0x1  }
0x9f: {  	s20 =	simm.s32 $_scs_section_size  }
0xa0: {  	s6 =	simm.s32 $_size__tile_overlayer_lowered;
	s7 =	simm.s32 $_tile_overlayer_lowered  }
0xa1: {  	s23 =	simm.s32 $0x1BFF;
	s22 =	sshll.u32 s7, $0x1;
	s4 =	sadd.s32 s20, s19  }
0xa2: {  	s8 =	simm.s32 $0x0;
	s21 =	sshll.u32 s6, $0x1;
	s6 =	sadd.s32 s22, s4  }
0xa3: {  	[timem:s8], [sflag:s23] =	dma.local [hbm:s6], s21  }
0xa4: {  	_ =	swait.ge [sflag:s23], s21  }
0xa5: {  	s5 =	ssub.s32 $0x0, s21;
	[sflag:s23] =	ssyncset.done $0x0  }
0xa6: {  	[sflag:s23] =	ssyncadd.s32 s5;
	_ =	sdelay $0x1  }
0xa7: {  	s24 =	simm.s32 $0x1B8B  }
0xa8: {  	_ =	swait.ge [sflag:s24], $0x1  }
0xa9: {  	[sflag:s24] =	ssyncset.done $0x0  }
0xaa: {  	s25 =	simm.s32 $0x1B8E;
	[sflag:s24] =	ssyncadd.s32 $0xFFFFFFFF  }
0xab: {  	s26 =	simm.s32 $execute0_lowered;
	[smem:$0x3FD2] =	sst s25  }
0xac: {  	s5 =	sshll.u32 s26, $0x1;
	_ =	strace $0x80000046;
	[dreg:$0x1] =	wrdreg $0xFFFFFFFF  }
0xad: {  	s28 =	simm.s32 $_size_execute0_lowered;
	s4 =	sadd.s32 s4, s5;
	[dreg:$0x0] =	wrdreg $0x0  }
0xae: {  	s5 =	sshll.u32 s28, $0x1;
	[dreg:$0x2] =	wrdreg s4  }
0xaf: {  	[dreg:$0x3] =	wrdreg s5  }
0xb0: {  	[dreg:$0x4] =	wrdreg $0xC0  }
0xb1: {  	_ =	task [dreg:s8], $0x5FFFF  }
0xb2: {  	[dreg:$0x1] =	wrdreg $0xFFFFFFFF  }
0xb3: {  	[dreg:$0x0] =	wrdreg $0x60  }
0xb4: {  	[dreg:$0x2] =	wrdreg s16  }
0xb5: {  	[dreg:$0x3] =	wrdreg s17  }
0xb6: {  	[dreg:$0x4] =	wrdreg $0x9  }
0xb7: {  	_ =	task.clear_ibuf [dreg:s8], $0x5FFFF;
	_ =	strace $0x90000046  }
0xb8: {  	s29 =	simm.s32 $0x9;
	_ =	strace $0x80000048  }
0xb9: {  	_ =	swait.ge [sflag:s29], $0x1  }
0xba: {  	[sflag:s29] =	ssyncadd.s32 $0xFFFFFFFF  }
0xbb: {  	_ =	strace $0x90000048  }
0xbc: {  	_ =	sfence  }
0xbd: {  	s30 =	sld [smem:$0x0];
	_ =	sdelay $0x2  }
0xbe: {  	s31 =	sshll.u32 s1, $0xD;
	s1 =	sshrl.u32 s1, $0x2  }
0xbf: {  	s3 =	sand.u32 $0x4000, s31;
	s1 =	sadd.s32 s1, s30  }
0xc0: {  	s0 =	sor.u32 s3, s0;
	s1 =	sshll.u32 s1, $0x11  }
0xc1: {  	s0 =	sor.u32 s1, s0  }
0xc2: {  	s0 =	sadd.s32 $0x8F2B, s0  }
0xc3: {  	[sflag:s0] =	ssyncadd.remote.s32 $0x1  }
0xc4: {  	_ =	sfence.sel $0xFFFF  }
0xc5: {  	[dreg:$0x0] =	wrdreg $0xFFFFFFFF;
	(pc) =	sbr.abs _section_cstart, $3  }
0xc6: {  	[dreg:$0x1] =	wrdreg $0xFFFFFFFF  }
0xc7: {  	_ =	task.clear_ibuf [dreg:s8], $0x2FFFF;
	_ =	strace $0x9FFFFFFF  }
0xc8: {  	(tm) =	ssettm $0x7FFFFFFF  }
0xc9: {  	_ =	shalt  }
tec
execute0_lowered:
.L_overlay_start_1:
0x0: {  	(tag) =	ssettag $0x1  }
0x1: {  	s0 =	srdreg.scid  }
0x2: {  	s4 =	sand.u32 $0x1, s0;
	s0 =	stileid.u32  }
0x3: {  	s5 =	sshll.u32 s0, $0x1;
	s6 =	ssub.s32 $0x0, s4  }
0x4: {  	p0 =	sne.s32 s5, s6  }
.Ltmp0:
0x5: {  	_ = 	snop;
	(pc) =	sbr.rel @p0 .LBB2_4-.Ltmp0, $4  }
0x6: {  	_ = 	snop  }
0x7: {  	s2 =	rddreg [dreg:$0x0]  }
0x8: {  	s3 =	rddreg [dreg:$0x1]  }
0x9: {  	s1 =	rddreg [dreg:$0x2];
	_ =	strace $0x80000047  }
0xa: {  	s4 =	ssub.s32 $0x2, s4  }
0xb: {  	s5 =	sshrl.u32 s4, $0x1  }
0xc: {  	s5 =	ssub.s32 s4, s5  }
0xd: {  	s6 =	smax.u32 s5, $0x1  }
0xe: {  	p0 =	sne.s32 s6, $0x1  }
.Ltmp1:
0xf: {  	s31 =	sshll.u32 s0, $0x6;
	(pc) =	sbr.rel @!p0 .LBB2_3-.Ltmp1, $4  }
0x10: {  	s4 =	sor.u32 $0x1C01, s31;
	s5 =	simm.s32 $0x1  }
0x11: {  	[hbm:s3], [sflag:s4] =	dma.local [hbm:s2], $0xC380  }
0x12: {  	_ =	swait.ge [sflag:s5], $0xC380  }
0x13: {  	s6 =	sadd.s32 $0xFFFFFFFF, s6;
	[sflag:s5] =	ssyncset.done $0x0  }
.LBB2_2:
0x14: {  	p0 =	sne.s32 s6, $0x1;
	s6 =	sadd.s32 $0xFFFFFFFF, s6;
	[sflag:s5] =	ssyncadd.s32 $0xFFFF3C80  }
.Ltmp2:
0x15: {  	(pc) =	sbr.rel @p0 .LBB2_2-.Ltmp2, $4  }
0x16: {  	_ = 	snop  }
0x17: {  	[hbm:s3], [sflag:s4] =	dma.local [hbm:s2], $0xC380  }
0x18: {  	_ =	swait.ge [sflag:s5], $0xC380  }
0x19: {  	[sflag:s5] =	ssyncset.done $0x0  }
.LBB2_3:
0x1a: {  	[sflag:s5] =	ssyncadd.s32 $0xFFFF3C80  }
.LBB2_4:
0x1b: {  	_ =	sfence.sel $0x180000  }
0x1c: {  	[bflag:$0x0] =	sbarrier.arrive $0xFFFF  }
0x1d: {  	p0 =	sne.s32 s0, $0x0;
	_ =	strace $0x90000047  }
0x1e: {  	s0 =	sadd.s32 @!p0 $0x100000, s1;
	[bflag:$0x2] =	sbarrier.arrive $0xFFFF  }
0x1f: {  	[sflag:s0] =	ssyncadd.tile.s32 @!p0 $0x1;
	_ =	shalt  }
.Lfunc_end2:
_tile_overlayer_lowered:
.L_overlay_start_2:
0x20: {  	(tag) =	ssettag $0x2  }
0x21: {  	s0 =	rddreg [dreg:$0x0];
	s2 =	stileid.u32  }
0x22: {  	s1 =	rddreg [dreg:$0x1];
	p0 =	sne.s32 s2, $0x0  }
0x23: {  	s3 =	rddreg [dreg:$0x2];
	[bflag:$0x3] =	sbarrier.arrive $0xFFFF;
	s2 =	simm.s32 @!p0 $0x1C01  }
0x24: {  	[timem:s3], [sflag:s2] =	dma.local @!p0 [hbm:s0], s1  }
0x25: {  	s0 =	simm.s32 @!p0 $0x1  }
0x26: {  	_ =	swait.ge @!p0 [sflag:s0], s1  }
0x27: {  	s1 =	ssub.s32 @!p0 $0x0, s1;
	[sflag:s0] =	ssyncset.done @!p0 $0x0  }
0x28: {  	[sflag:s0] =	ssyncadd.s32 @!p0 s1  }
0x29: {  	[bflag:$0x3] =	sbarrier.arrive $0xFFFF  }
0x2a: {  	_ =	shalt  }

</sc_bundles>
